<compile_context>
chip_gen: v7x
topology: tpu7x:2x2x1
jax: 0.10.2.dev20260603
libtpu: 0.0.44.dev20260713+nightly
codegen_flags: <defaults>
</compile_context>

<pallas_src>
import jax
import jax.numpy as jnp
from jax import lax
from jax.experimental import pallas as pl
from jax.experimental.pallas import tpu as pltpu
from jax.experimental.pallas import tpu_sc as plsc

_CHUNK_ROWS = 16
_NBUF = 3
_PREFETCH = 2


def kernel(input_ids, positional_encoding_table):
    seq_len = input_ids.shape[1]
    model_dim = positional_encoding_table.shape[1]

    info = plsc.get_sparse_core_info()
    nc, ns = info.num_cores, info.num_subcores
    nw = nc * ns
    rows_per_w = seq_len // nw
    assert rows_per_w * nw == seq_len
    nch = rows_per_w // _CHUNK_ROWS
    assert nch * _CHUNK_ROWS == rows_per_w and nch >= _NBUF

    mesh = plsc.VectorSubcoreMesh(core_axis_name="c", subcore_axis_name="s")

    @jax.jit
    def run(table):
        def body(table_hbm, out_hbm, buf, in_sems, out_sems):
            wid = lax.axis_index("s") * nc + lax.axis_index("c")
            base = wid * rows_per_w

            def in_copy(i, slot):
                return pltpu.make_async_copy(
                    table_hbm.at[pl.ds(base + i * _CHUNK_ROWS, _CHUNK_ROWS), :],
                    buf.at[slot],
                    in_sems.at[slot],
                )

            def out_copy(i, slot):
                return pltpu.make_async_copy(
                    buf.at[slot],
                    out_hbm.at[pl.ds(base + i * _CHUNK_ROWS, _CHUNK_ROWS), :],
                    out_sems.at[slot],
                )

            for b in range(_PREFETCH):
                in_copy(b, b).start()

            def step(i, _):
                slot = lax.rem(i, _NBUF)
                in_copy(i, slot).wait()
                out_copy(i, slot).start()
                j = i + _PREFETCH

                @pl.when(j < nch)
                def _():
                    jslot = lax.rem(j, _NBUF)

                    @pl.when(j >= _NBUF)
                    def _():
                        out_copy(j - _NBUF, jslot).wait()

                    in_copy(j, jslot).start()

                return 0

            lax.fori_loop(0, nch, step, 0)
            for k in range(nch - _NBUF, nch):
                out_copy(k, k % _NBUF).wait()

        return pl.kernel(
            body,
            out_type=jax.ShapeDtypeStruct((seq_len, model_dim), table.dtype),
            mesh=mesh,
            scratch_types=[
                pltpu.VMEM((_NBUF, _CHUNK_ROWS, model_dim), table.dtype),
                pltpu.SemaphoreType.DMA((_NBUF,)),
                pltpu.SemaphoreType.DMA((_NBUF,)),
            ],
        )(table)

    return run(positional_encoding_table)

# --- scband reference (transcript-rebuilt; emitter-appended) ---
"""Pipeline reference for scband-positional-encoding-85942295592963 (READ-ONLY COPY).

The authoritative reference and input builder live on the scoring server;
editing this copy changes nothing except your own understanding.
"""

import jax, jax.numpy as jnp
import numpy as np

MODEL_DIM = 2048
MAX_SEQ_LEN = 8192
BATCH = 4
SEQ_LEN = 8192

def setup_inputs(seed: int = 0) -> dict:
    key = jax.random.key(seed)
    k1, k2 = jax.random.split(key)
    input_ids = jax.random.randint(k1, (BATCH, SEQ_LEN), 0, MAX_SEQ_LEN, dtype=jnp.int64 if jax.config.jax_enable_x64 else jnp.int32).astype(jnp.int32)
    # learned positional embedding table (nn.Embedding weight), normal init like torch default
    positional_encoding_table = jax.random.normal(k2, (MAX_SEQ_LEN, MODEL_DIM), dtype=jnp.float32)
    return {"input_ids": input_ids, "positional_encoding_table": positional_encoding_table}

def reference(input_ids, positional_encoding_table):
    # learnable=True branch: embedding lookup of positions [0, seq_len)
    sequence_length = input_ids.shape[1]
    positions = jnp.arange(0, sequence_length, dtype=jnp.int32)
    return jnp.take(positional_encoding_table, positions, axis=0)

if __name__ == "__main__":
    import jax
    _d = setup_inputs()
    print(jax.jit(kernel)(*tuple(_d.values())))

</pallas_src>

<mosaic_0001>
#map = affine_map<(d0, d1) -> (0, 0)>
module attributes {stable_mosaic.version = 14 : i64} {
  func.func @body(%arg0: i32, %arg1: i32, %arg2: memref<8192x2048xf32, #tpu.memory_space<hbm>>, %arg3: memref<8192x2048xf32, #tpu.memory_space<hbm>>, %arg4: memref<3x16x2048xf32, #tpu.memory_space<vmem>>, %arg5: memref<3x!tpu.dma_semaphore, #tpu.memory_space<semaphore_mem>>, %arg6: memref<3x!tpu.dma_semaphore, #tpu.memory_space<semaphore_mem>>) attributes {dimension_semantics = [#tpu.dimension_semantics<core_parallel>, #tpu.dimension_semantics<subcore_parallel>], iteration_bounds = array<i64: 2, 16>, scalar_prefetch = 0 : i64, scratch_operands = 3 : i64, tpu.core_type = #tpu.core_type<sc_vector_subcore>, window_params = [{transform_indices = #map}, {transform_indices = #map}]} {
    %mul3A = arith.constant 2 : i32
    %mul3A_0 = arith.muli %arg1, %mul3A : i32
    %add3A = arith.addi %mul3A_0, %arg0 : i32
    %mul3A_1 = arith.constant 256 : i32
    %mul3A_2 = arith.muli %add3A, %mul3A_1 : i32
    %add3A_3 = arith.constant 0 : i32
    %add3A_4 = arith.addi %mul3A_2, %add3A_3 : i32
    %dma_start3A = arith.constant 0 : i32
    %dma_start3A_5 = arith.constant 0 : i32
    %dma_start3A_6 = arith.constant 0 : i32
    %dma_start3A_7 = arith.constant 0 : i32
    %dma_start3A_8 = tpu.memref_slice %arg4[%dma_start3A, %dma_start3A_6, %dma_start3A_7] : memref<3x16x2048xf32, #tpu.memory_space<vmem>> -> memref<1x16x2048xf32, #tpu.memory_space<vmem>>
    %dma_start3A_9 = tpu.memref_squeeze %dma_start3A_8 : memref<1x16x2048xf32, #tpu.memory_space<vmem>> -> memref<16x2048xf32, #tpu.memory_space<vmem>>
    %dma_start3A_10 = arith.constant 0 : i32
    %dma_start3A_11 = tpu.memref_slice %arg2[%add3A_4, %dma_start3A_10] : memref<8192x2048xf32, #tpu.memory_space<hbm>> -> memref<16x2048xf32, #tpu.memory_space<hbm>>
    %dma_start3A_12 = tpu.memref_slice %arg5[%dma_start3A_5] : memref<3x!tpu.dma_semaphore, #tpu.memory_space<semaphore_mem>> -> memref<1x!tpu.dma_semaphore, #tpu.memory_space<semaphore_mem>>
    %dma_start3A_13 = tpu.memref_squeeze %dma_start3A_12 : memref<1x!tpu.dma_semaphore, #tpu.memory_space<semaphore_mem>> -> memref<!tpu.dma_semaphore, #tpu.memory_space<semaphore_mem>>
    %dma_start3A_14 = arith.constant 0 : i32
    %dma_start3A_15 = arith.constant 0 : i32
    %dma_start3A_16 = tpu.memref_slice %arg4[%dma_start3A, %dma_start3A_14, %dma_start3A_15] : memref<3x16x2048xf32, #tpu.memory_space<vmem>> -> memref<1x16x2048xf32, #tpu.memory_space<vmem>>
    %dma_start3A_17 = tpu.memref_squeeze %dma_start3A_16 : memref<1x16x2048xf32, #tpu.memory_space<vmem>> -> memref<16x2048xf32, #tpu.memory_space<vmem>>
    %dma_start3A_18 = arith.constant 0 : i32
    %dma_start3A_19 = tpu.memref_slice %arg2[%add3A_4, %dma_start3A_18] : memref<8192x2048xf32, #tpu.memory_space<hbm>> -> memref<16x2048xf32, #tpu.memory_space<hbm>>
    tpu.enqueue_dma source(%dma_start3A_19 : memref<16x2048xf32, #tpu.memory_space<hbm>>) target(%dma_start3A_17 : memref<16x2048xf32, #tpu.memory_space<vmem>>) target_semaphore(%dma_start3A_13 : memref<!tpu.dma_semaphore, #tpu.memory_space<semaphore_mem>>)
    %add3A_20 = arith.constant 16 : i32
    %add3A_21 = arith.addi %mul3A_2, %add3A_20 : i32
    %dma_start3A_22 = arith.constant 1 : i32
    %dma_start3A_23 = arith.constant 1 : i32
    %dma_start3A_24 = arith.constant 0 : i32
    %dma_start3A_25 = arith.constant 0 : i32
    %dma_start3A_26 = tpu.memref_slice %arg4[%dma_start3A_22, %dma_start3A_24, %dma_start3A_25] : memref<3x16x2048xf32, #tpu.memory_space<vmem>> -> memref<1x16x2048xf32, #tpu.memory_space<vmem>>
    %dma_start3A_27 = tpu.memref_squeeze %dma_start3A_26 : memref<1x16x2048xf32, #tpu.memory_space<vmem>> -> memref<16x2048xf32, #tpu.memory_space<vmem>>
    %dma_start3A_28 = arith.constant 0 : i32
    %dma_start3A_29 = tpu.memref_slice %arg2[%add3A_21, %dma_start3A_28] : memref<8192x2048xf32, #tpu.memory_space<hbm>> -> memref<16x2048xf32, #tpu.memory_space<hbm>>
    %dma_start3A_30 = tpu.memref_slice %arg5[%dma_start3A_23] : memref<3x!tpu.dma_semaphore, #tpu.memory_space<semaphore_mem>> -> memref<1x!tpu.dma_semaphore, #tpu.memory_space<semaphore_mem>>
    %dma_start3A_31 = tpu.memref_squeeze %dma_start3A_30 : memref<1x!tpu.dma_semaphore, #tpu.memory_space<semaphore_mem>> -> memref<!tpu.dma_semaphore, #tpu.memory_space<semaphore_mem>>
    %dma_start3A_32 = arith.constant 0 : i32
    %dma_start3A_33 = arith.constant 0 : i32
    %dma_start3A_34 = tpu.memref_slice %arg4[%dma_start3A_22, %dma_start3A_32, %dma_start3A_33] : memref<3x16x2048xf32, #tpu.memory_space<vmem>> -> memref<1x16x2048xf32, #tpu.memory_space<vmem>>
    %dma_start3A_35 = tpu.memref_squeeze %dma_start3A_34 : memref<1x16x2048xf32, #tpu.memory_space<vmem>> -> memref<16x2048xf32, #tpu.memory_space<vmem>>
    %dma_start3A_36 = arith.constant 0 : i32
    %dma_start3A_37 = tpu.memref_slice %arg2[%add3A_21, %dma_start3A_36] : memref<8192x2048xf32, #tpu.memory_space<hbm>> -> memref<16x2048xf32, #tpu.memory_space<hbm>>
    tpu.enqueue_dma source(%dma_start3A_37 : memref<16x2048xf32, #tpu.memory_space<hbm>>) target(%dma_start3A_35 : memref<16x2048xf32, #tpu.memory_space<vmem>>) target_semaphore(%dma_start3A_31 : memref<!tpu.dma_semaphore, #tpu.memory_space<semaphore_mem>>)
    %scan3A = arith.constant 0 : i32
    %scan3A_38 = arith.constant 0 : i32
    %scan3A_39 = arith.constant 16 : i32
    %scan3A_40 = arith.addi %scan3A_38, %scan3A_39 : i32
    %scan3A_41 = arith.constant 1 : i32
    %scan3A_42 = scf.for %scan3A_97 = %scan3A_38 to %scan3A_40 step %scan3A_41 iter_args(%scan3A_98 = %scan3A) -> (i32)  : i32 {
      %rem3A = arith.constant 3 : i32
      %rem3A_99 = arith.remsi %scan3A_97, %rem3A : i32
      %mul3A_100 = arith.constant 16 : i32
      %mul3A_101 = arith.muli %scan3A_97, %mul3A_100 : i32
      %add3A_102 = arith.addi %mul3A_2, %mul3A_101 : i32
      %dma_wait3A_103 = arith.constant 0 : i32
      %dma_wait3A_104 = arith.constant 0 : i32
      %dma_wait3A_105 = tpu.memref_slice %arg4[%rem3A_99, %dma_wait3A_103, %dma_wait3A_104] : memref<3x16x2048xf32, #tpu.memory_space<vmem>> -> memref<1x16x2048xf32, #tpu.memory_space<vmem>>
      %dma_wait3A_106 = tpu.memref_squeeze %dma_wait3A_105 : memref<1x16x2048xf32, #tpu.memory_space<vmem>> -> memref<16x2048xf32, #tpu.memory_space<vmem>>
      %dma_wait3A_107 = arith.constant 0 : i32
      %dma_wait3A_108 = tpu.memref_slice %arg2[%add3A_102, %dma_wait3A_107] : memref<8192x2048xf32, #tpu.memory_space<hbm>> -> memref<16x2048xf32, #tpu.memory_space<hbm>>
      %dma_wait3A_109 = tpu.memref_slice %arg5[%rem3A_99] : memref<3x!tpu.dma_semaphore, #tpu.memory_space<semaphore_mem>> -> memref<1x!tpu.dma_semaphore, #tpu.memory_space<semaphore_mem>>
      %dma_wait3A_110 = tpu.memref_squeeze %dma_wait3A_109 : memref<1x!tpu.dma_semaphore, #tpu.memory_space<semaphore_mem>> -> memref<!tpu.dma_semaphore, #tpu.memory_space<semaphore_mem>>
      %dma_wait3A_111 = arith.constant 0 : i32
      %dma_wait3A_112 = arith.constant 0 : i32
      %dma_wait3A_113 = tpu.memref_slice %arg4[%rem3A_99, %dma_wait3A_111, %dma_wait3A_112] : memref<3x16x2048xf32, #tpu.memory_space<vmem>> -> memref<1x16x2048xf32, #tpu.memory_space<vmem>>
      %dma_wait3A_114 = tpu.memref_squeeze %dma_wait3A_113 : memref<1x16x2048xf32, #tpu.memory_space<vmem>> -> memref<16x2048xf32, #tpu.memory_space<vmem>>
      %dma_wait3A_115 = arith.constant 0 : i32
      %dma_wait3A_116 = tpu.memref_slice %arg2[%add3A_102, %dma_wait3A_115] : memref<8192x2048xf32, #tpu.memory_space<hbm>> -> memref<16x2048xf32, #tpu.memory_space<hbm>>
      tpu.wait_dma2 semaphore(%dma_wait3A_110 : memref<!tpu.dma_semaphore, #tpu.memory_space<semaphore_mem>>) src(%dma_wait3A_116 : memref<16x2048xf32, #tpu.memory_space<hbm>>) dst(%dma_wait3A_114 : memref<16x2048xf32, #tpu.memory_space<vmem>>)
      %mul3A_117 = arith.constant 16 : i32
      %mul3A_118 = arith.muli %scan3A_97, %mul3A_117 : i32
      %add3A_119 = arith.addi %mul3A_2, %mul3A_118 : i32
      %dma_start3A_120 = arith.constant 0 : i32
      %dma_start3A_121 = arith.constant 0 : i32
      %dma_start3A_122 = tpu.memref_slice %arg4[%rem3A_99, %dma_start3A_120, %dma_start3A_121] : memref<3x16x2048xf32, #tpu.memory_space<vmem>> -> memref<1x16x2048xf32, #tpu.memory_space<vmem>>
      %dma_start3A_123 = tpu.memref_squeeze %dma_start3A_122 : memref<1x16x2048xf32, #tpu.memory_space<vmem>> -> memref<16x2048xf32, #tpu.memory_space<vmem>>
      %dma_start3A_124 = arith.constant 0 : i32
      %dma_start3A_125 = tpu.memref_slice %arg3[%add3A_119, %dma_start3A_124] : memref<8192x2048xf32, #tpu.memory_space<hbm>> -> memref<16x2048xf32, #tpu.memory_space<hbm>>
      %dma_start3A_126 = tpu.memref_slice %arg6[%rem3A_99] : memref<3x!tpu.dma_semaphore, #tpu.memory_space<semaphore_mem>> -> memref<1x!tpu.dma_semaphore, #tpu.memory_space<semaphore_mem>>
      %dma_start3A_127 = tpu.memref_squeeze %dma_start3A_126 : memref<1x!tpu.dma_semaphore, #tpu.memory_space<semaphore_mem>> -> memref<!tpu.dma_semaphore, #tpu.memory_space<semaphore_mem>>
      %dma_start3A_128 = arith.constant 0 : i32
      %dma_start3A_129 = tpu.memref_slice %arg3[%add3A_119, %dma_start3A_128] : memref<8192x2048xf32, #tpu.memory_space<hbm>> -> memref<16x2048xf32, #tpu.memory_space<hbm>>
      %dma_start3A_130 = arith.constant 0 : i32
      %dma_start3A_131 = arith.constant 0 : i32
      %dma_start3A_132 = tpu.memref_slice %arg4[%rem3A_99, %dma_start3A_130, %dma_start3A_131] : memref<3x16x2048xf32, #tpu.memory_space<vmem>> -> memref<1x16x2048xf32, #tpu.memory_space<vmem>>
      %dma_start3A_133 = tpu.memref_squeeze %dma_start3A_132 : memref<1x16x2048xf32, #tpu.memory_space<vmem>> -> memref<16x2048xf32, #tpu.memory_space<vmem>>
      tpu.enqueue_dma source(%dma_start3A_133 : memref<16x2048xf32, #tpu.memory_space<vmem>>) target(%dma_start3A_129 : memref<16x2048xf32, #tpu.memory_space<hbm>>) target_semaphore(%dma_start3A_127 : memref<!tpu.dma_semaphore, #tpu.memory_space<semaphore_mem>>)
      %add3A_134 = arith.constant 2 : i32
      %add3A_135 = arith.addi %scan3A_97, %add3A_134 : i32
      %lt3A = arith.constant 16 : i32
      %lt3A_136 = arith.cmpi slt, %add3A_135, %lt3A : i32
      %convert_element_type3A = arith.extui %lt3A_136 : i1 to i32
      %cond3A = arith.constant 0 : i32
      %cond3A_137 = arith.cmpi ne, %convert_element_type3A, %cond3A : i32
      scf.if %cond3A_137 {
        %rem3A_139 = arith.constant 3 : i32
        %rem3A_140 = arith.remsi %add3A_135, %rem3A_139 : i32
        %ge3A = arith.constant 3 : i32
        %ge3A_141 = arith.cmpi sge, %add3A_135, %ge3A : i32
        %convert_element_type3A_142 = arith.extui %ge3A_141 : i1 to i32
        %cond3A_143 = arith.constant 0 : i32
        %cond3A_144 = arith.cmpi ne, %convert_element_type3A_142, %cond3A_143 : i32
        scf.if %cond3A_144 {
          %sub3A = arith.constant 3 : i32
          %sub3A_162 = arith.subi %add3A_135, %sub3A : i32
          %mul3A_163 = arith.constant 16 : i32
          %mul3A_164 = arith.muli %sub3A_162, %mul3A_163 : i32
          %add3A_165 = arith.addi %mul3A_2, %mul3A_164 : i32
          %dma_wait3A_166 = arith.constant 0 : i32
          %dma_wait3A_167 = arith.constant 0 : i32
          %dma_wait3A_168 = tpu.memref_slice %arg4[%rem3A_140, %dma_wait3A_166, %dma_wait3A_167] : memref<3x16x2048xf32, #tpu.memory_space<vmem>> -> memref<1x16x2048xf32, #tpu.memory_space<vmem>>
          %dma_wait3A_169 = tpu.memref_squeeze %dma_wait3A_168 : memref<1x16x2048xf32, #tpu.memory_space<vmem>> -> memref<16x2048xf32, #tpu.memory_space<vmem>>
          %dma_wait3A_170 = arith.constant 0 : i32
          %dma_wait3A_171 = tpu.memref_slice %arg3[%add3A_165, %dma_wait3A_170] : memref<8192x2048xf32, #tpu.memory_space<hbm>> -> memref<16x2048xf32, #tpu.memory_space<hbm>>
          %dma_wait3A_172 = tpu.memref_slice %arg6[%rem3A_140] : memref<3x!tpu.dma_semaphore, #tpu.memory_space<semaphore_mem>> -> memref<1x!tpu.dma_semaphore, #tpu.memory_space<semaphore_mem>>
          %dma_wait3A_173 = tpu.memref_squeeze %dma_wait3A_172 : memref<1x!tpu.dma_semaphore, #tpu.memory_space<semaphore_mem>> -> memref<!tpu.dma_semaphore, #tpu.memory_space<semaphore_mem>>
          %dma_wait3A_174 = arith.constant 0 : i32
          %dma_wait3A_175 = tpu.memref_slice %arg3[%add3A_165, %dma_wait3A_174] : memref<8192x2048xf32, #tpu.memory_space<hbm>> -> memref<16x2048xf32, #tpu.memory_space<hbm>>
          %dma_wait3A_176 = arith.constant 0 : i32
          %dma_wait3A_177 = arith.constant 0 : i32
          %dma_wait3A_178 = tpu.memref_slice %arg4[%rem3A_140, %dma_wait3A_176, %dma_wait3A_177] : memref<3x16x2048xf32, #tpu.memory_space<vmem>> -> memref<1x16x2048xf32, #tpu.memory_space<vmem>>
          %dma_wait3A_179 = tpu.memref_squeeze %dma_wait3A_178 : memref<1x16x2048xf32, #tpu.memory_space<vmem>> -> memref<16x2048xf32, #tpu.memory_space<vmem>>
          tpu.wait_dma2 semaphore(%dma_wait3A_173 : memref<!tpu.dma_semaphore, #tpu.memory_space<semaphore_mem>>) src(%dma_wait3A_179 : memref<16x2048xf32, #tpu.memory_space<vmem>>) dst(%dma_wait3A_175 : memref<16x2048xf32, #tpu.memory_space<hbm>>)
        } else {
        }
        %mul3A_145 = arith.constant 16 : i32
        %mul3A_146 = arith.muli %add3A_135, %mul3A_145 : i32
        %add3A_147 = arith.addi %mul3A_2, %mul3A_146 : i32
        %dma_start3A_148 = arith.constant 0 : i32
        %dma_start3A_149 = arith.constant 0 : i32
        %dma_start3A_150 = tpu.memref_slice %arg4[%rem3A_140, %dma_start3A_148, %dma_start3A_149] : memref<3x16x2048xf32, #tpu.memory_space<vmem>> -> memref<1x16x2048xf32, #tpu.memory_space<vmem>>
        %dma_start3A_151 = tpu.memref_squeeze %dma_start3A_150 : memref<1x16x2048xf32, #tpu.memory_space<vmem>> -> memref<16x2048xf32, #tpu.memory_space<vmem>>
        %dma_start3A_152 = arith.constant 0 : i32
        %dma_start3A_153 = tpu.memref_slice %arg2[%add3A_147, %dma_start3A_152] : memref<8192x2048xf32, #tpu.memory_space<hbm>> -> memref<16x2048xf32, #tpu.memory_space<hbm>>
        %dma_start3A_154 = tpu.memref_slice %arg5[%rem3A_140] : memref<3x!tpu.dma_semaphore, #tpu.memory_space<semaphore_mem>> -> memref<1x!tpu.dma_semaphore, #tpu.memory_space<semaphore_mem>>
        %dma_start3A_155 = tpu.memref_squeeze %dma_start3A_154 : memref<1x!tpu.dma_semaphore, #tpu.memory_space<semaphore_mem>> -> memref<!tpu.dma_semaphore, #tpu.memory_space<semaphore_mem>>
        %dma_start3A_156 = arith.constant 0 : i32
        %dma_start3A_157 = arith.constant 0 : i32
        %dma_start3A_158 = tpu.memref_slice %arg4[%rem3A_140, %dma_start3A_156, %dma_start3A_157] : memref<3x16x2048xf32, #tpu.memory_space<vmem>> -> memref<1x16x2048xf32, #tpu.memory_space<vmem>>
        %dma_start3A_159 = tpu.memref_squeeze %dma_start3A_158 : memref<1x16x2048xf32, #tpu.memory_space<vmem>> -> memref<16x2048xf32, #tpu.memory_space<vmem>>
        %dma_start3A_160 = arith.constant 0 : i32
        %dma_start3A_161 = tpu.memref_slice %arg2[%add3A_147, %dma_start3A_160] : memref<8192x2048xf32, #tpu.memory_space<hbm>> -> memref<16x2048xf32, #tpu.memory_space<hbm>>
        tpu.enqueue_dma source(%dma_start3A_161 : memref<16x2048xf32, #tpu.memory_space<hbm>>) target(%dma_start3A_159 : memref<16x2048xf32, #tpu.memory_space<vmem>>) target_semaphore(%dma_start3A_155 : memref<!tpu.dma_semaphore, #tpu.memory_space<semaphore_mem>>)
      } else {
      }
      %scan3A_138 = arith.constant 0 : i32
      scf.yield %scan3A_138 : i32
    }
    %scan3A_43 = arith.constant 16 : i32
    %add3A_44 = arith.constant 208 : i32
    %add3A_45 = arith.addi %mul3A_2, %add3A_44 : i32
    %dma_wait3A = arith.constant 1 : i32
    %dma_wait3A_46 = arith.constant 1 : i32
    %dma_wait3A_47 = arith.constant 0 : i32
    %dma_wait3A_48 = arith.constant 0 : i32
    %dma_wait3A_49 = tpu.memref_slice %arg4[%dma_wait3A, %dma_wait3A_47, %dma_wait3A_48] : memref<3x16x2048xf32, #tpu.memory_space<vmem>> -> memref<1x16x2048xf32, #tpu.memory_space<vmem>>
    %dma_wait3A_50 = tpu.memref_squeeze %dma_wait3A_49 : memref<1x16x2048xf32, #tpu.memory_space<vmem>> -> memref<16x2048xf32, #tpu.memory_space<vmem>>
    %dma_wait3A_51 = arith.constant 0 : i32
    %dma_wait3A_52 = tpu.memref_slice %arg3[%add3A_45, %dma_wait3A_51] : memref<8192x2048xf32, #tpu.memory_space<hbm>> -> memref<16x2048xf32, #tpu.memory_space<hbm>>
    %dma_wait3A_53 = tpu.memref_slice %arg6[%dma_wait3A_46] : memref<3x!tpu.dma_semaphore, #tpu.memory_space<semaphore_mem>> -> memref<1x!tpu.dma_semaphore, #tpu.memory_space<semaphore_mem>>
    %dma_wait3A_54 = tpu.memref_squeeze %dma_wait3A_53 : memref<1x!tpu.dma_semaphore, #tpu.memory_space<semaphore_mem>> -> memref<!tpu.dma_semaphore, #tpu.memory_space<semaphore_mem>>
    %dma_wait3A_55 = arith.constant 0 : i32
    %dma_wait3A_56 = tpu.memref_slice %arg3[%add3A_45, %dma_wait3A_55] : memref<8192x2048xf32, #tpu.memory_space<hbm>> -> memref<16x2048xf32, #tpu.memory_space<hbm>>
    %dma_wait3A_57 = arith.constant 0 : i32
    %dma_wait3A_58 = arith.constant 0 : i32
    %dma_wait3A_59 = tpu.memref_slice %arg4[%dma_wait3A, %dma_wait3A_57, %dma_wait3A_58] : memref<3x16x2048xf32, #tpu.memory_space<vmem>> -> memref<1x16x2048xf32, #tpu.memory_space<vmem>>
    %dma_wait3A_60 = tpu.memref_squeeze %dma_wait3A_59 : memref<1x16x2048xf32, #tpu.memory_space<vmem>> -> memref<16x2048xf32, #tpu.memory_space<vmem>>
    tpu.wait_dma2 semaphore(%dma_wait3A_54 : memref<!tpu.dma_semaphore, #tpu.memory_space<semaphore_mem>>) src(%dma_wait3A_60 : memref<16x2048xf32, #tpu.memory_space<vmem>>) dst(%dma_wait3A_56 : memref<16x2048xf32, #tpu.memory_space<hbm>>)
    %add3A_61 = arith.constant 224 : i32
    %add3A_62 = arith.addi %mul3A_2, %add3A_61 : i32
    %dma_wait3A_63 = arith.constant 2 : i32
    %dma_wait3A_64 = arith.constant 2 : i32
    %dma_wait3A_65 = arith.constant 0 : i32
    %dma_wait3A_66 = arith.constant 0 : i32
    %dma_wait3A_67 = tpu.memref_slice %arg4[%dma_wait3A_63, %dma_wait3A_65, %dma_wait3A_66] : memref<3x16x2048xf32, #tpu.memory_space<vmem>> -> memref<1x16x2048xf32, #tpu.memory_space<vmem>>
    %dma_wait3A_68 = tpu.memref_squeeze %dma_wait3A_67 : memref<1x16x2048xf32, #tpu.memory_space<vmem>> -> memref<16x2048xf32, #tpu.memory_space<vmem>>
    %dma_wait3A_69 = arith.constant 0 : i32
    %dma_wait3A_70 = tpu.memref_slice %arg3[%add3A_62, %dma_wait3A_69] : memref<8192x2048xf32, #tpu.memory_space<hbm>> -> memref<16x2048xf32, #tpu.memory_space<hbm>>
    %dma_wait3A_71 = tpu.memref_slice %arg6[%dma_wait3A_64] : memref<3x!tpu.dma_semaphore, #tpu.memory_space<semaphore_mem>> -> memref<1x!tpu.dma_semaphore, #tpu.memory_space<semaphore_mem>>
    %dma_wait3A_72 = tpu.memref_squeeze %dma_wait3A_71 : memref<1x!tpu.dma_semaphore, #tpu.memory_space<semaphore_mem>> -> memref<!tpu.dma_semaphore, #tpu.memory_space<semaphore_mem>>
    %dma_wait3A_73 = arith.constant 0 : i32
    %dma_wait3A_74 = tpu.memref_slice %arg3[%add3A_62, %dma_wait3A_73] : memref<8192x2048xf32, #tpu.memory_space<hbm>> -> memref<16x2048xf32, #tpu.memory_space<hbm>>
    %dma_wait3A_75 = arith.constant 0 : i32
    %dma_wait3A_76 = arith.constant 0 : i32
    %dma_wait3A_77 = tpu.memref_slice %arg4[%dma_wait3A_63, %dma_wait3A_75, %dma_wait3A_76] : memref<3x16x2048xf32, #tpu.memory_space<vmem>> -> memref<1x16x2048xf32, #tpu.memory_space<vmem>>
    %dma_wait3A_78 = tpu.memref_squeeze %dma_wait3A_77 : memref<1x16x2048xf32, #tpu.memory_space<vmem>> -> memref<16x2048xf32, #tpu.memory_space<vmem>>
    tpu.wait_dma2 semaphore(%dma_wait3A_72 : memref<!tpu.dma_semaphore, #tpu.memory_space<semaphore_mem>>) src(%dma_wait3A_78 : memref<16x2048xf32, #tpu.memory_space<vmem>>) dst(%dma_wait3A_74 : memref<16x2048xf32, #tpu.memory_space<hbm>>)
    %add3A_79 = arith.constant 240 : i32
    %add3A_80 = arith.addi %mul3A_2, %add3A_79 : i32
    %dma_wait3A_81 = arith.constant 0 : i32
    %dma_wait3A_82 = arith.constant 0 : i32
    %dma_wait3A_83 = arith.constant 0 : i32
    %dma_wait3A_84 = arith.constant 0 : i32
    %dma_wait3A_85 = tpu.memref_slice %arg4[%dma_wait3A_81, %dma_wait3A_83, %dma_wait3A_84] : memref<3x16x2048xf32, #tpu.memory_space<vmem>> -> memref<1x16x2048xf32, #tpu.memory_space<vmem>>
    %dma_wait3A_86 = tpu.memref_squeeze %dma_wait3A_85 : memref<1x16x2048xf32, #tpu.memory_space<vmem>> -> memref<16x2048xf32, #tpu.memory_space<vmem>>
    %dma_wait3A_87 = arith.constant 0 : i32
    %dma_wait3A_88 = tpu.memref_slice %arg3[%add3A_80, %dma_wait3A_87] : memref<8192x2048xf32, #tpu.memory_space<hbm>> -> memref<16x2048xf32, #tpu.memory_space<hbm>>
    %dma_wait3A_89 = tpu.memref_slice %arg6[%dma_wait3A_82] : memref<3x!tpu.dma_semaphore, #tpu.memory_space<semaphore_mem>> -> memref<1x!tpu.dma_semaphore, #tpu.memory_space<semaphore_mem>>
    %dma_wait3A_90 = tpu.memref_squeeze %dma_wait3A_89 : memref<1x!tpu.dma_semaphore, #tpu.memory_space<semaphore_mem>> -> memref<!tpu.dma_semaphore, #tpu.memory_space<semaphore_mem>>
    %dma_wait3A_91 = arith.constant 0 : i32
    %dma_wait3A_92 = tpu.memref_slice %arg3[%add3A_80, %dma_wait3A_91] : memref<8192x2048xf32, #tpu.memory_space<hbm>> -> memref<16x2048xf32, #tpu.memory_space<hbm>>
    %dma_wait3A_93 = arith.constant 0 : i32
    %dma_wait3A_94 = arith.constant 0 : i32
    %dma_wait3A_95 = tpu.memref_slice %arg4[%dma_wait3A_81, %dma_wait3A_93, %dma_wait3A_94] : memref<3x16x2048xf32, #tpu.memory_space<vmem>> -> memref<1x16x2048xf32, #tpu.memory_space<vmem>>
    %dma_wait3A_96 = tpu.memref_squeeze %dma_wait3A_95 : memref<1x16x2048xf32, #tpu.memory_space<vmem>> -> memref<16x2048xf32, #tpu.memory_space<vmem>>
    tpu.wait_dma2 semaphore(%dma_wait3A_90 : memref<!tpu.dma_semaphore, #tpu.memory_space<semaphore_mem>>) src(%dma_wait3A_96 : memref<16x2048xf32, #tpu.memory_space<vmem>>) dst(%dma_wait3A_92 : memref<16x2048xf32, #tpu.memory_space<hbm>>)
    return
  }
}

</mosaic_0001>

<sc_bundles>
// kernel: run.3.cloned.1.call-start
scs
__scs_entry_jumppad:
0x0: {  	(pc) =	sbr.rel $0x88, $3  }
0x1: {  	(tag) =	ssettag $0x0;
	lr =	simm.s32 $0x1  }
0x2: {  	[smem:$0x3FA0] =	sst lr;
	_ =	strace $0xD0000000  }
0x3: {  	_ = 	snop  }
0x4: {  	_ = 	snop  }
0x5: {  	_ = 	snop  }
0x6: {  	_ = 	snop  }
0x7: {  	_ = 	snop  }
__scs_overlays_trampoline_lowered:
0x8: {  	[smem:$0x3FAF] =	sst s0  }
0x9: {  	[smem:$0x3FB0] =	sst s1  }
0xa: {  	[smem:$0x3FB1] =	sst s2  }
0xb: {  	[smem:$0x3FB2] =	sst s3  }
0xc: {  	[smem:$0x3FB3] =	sst s4  }
0xd: {  	[smem:$0x3FB4] =	sst s5  }
0xe: {  	[smem:$0x3FB5] =	sst s6  }
0xf: {  	[smem:$0x3FB6] =	sst s7  }
0x10: {  	[smem:$0x3FB7] =	sst s8  }
0x11: {  	[smem:$0x3FB8] =	sst s9;
	s0 =	simm.s32 @!p0 $0x0  }
0x12: {  	s1 =	sld [smem:$0x3F9E];
	s0 =	simm.s32 @p0 $0x1  }
0x13: {  	[smem:$0x3FB9] =	sst s0;
	s0 =	simm.s32 @!p1 $0x0  }
0x14: {  	s2 =	sld [smem:$0x3F9D];
	s0 =	simm.s32 @p1 $0x1  }
0x15: {  	[smem:$0x3FBA] =	sst s0;
	s0 =	simm.s32 @!p2 $0x0  }
0x16: {  	s3 =	sld [smem:$0x3FDB];
	s0 =	simm.s32 @p2 $0x1  }
0x17: {  	s4 =	simm.s32 $0x1BF5;
	[smem:$0x3FBC] =	sst s0  }
0x18: {  	s0 =	sld [smem:$0x3F9F];
	_ =	swait.ge [sflag:s4], $0x0  }
0x19: {  	s7 =	sld [smem:$0x3FA0]  }
0x1a: {  	s8 =	sadd.s32 $0xFFFFE003, lr  }
0x1b: {  	s9 =	sadd.s32 $0xFFFFFEF7, lr;
	s5 =	simm.s32 $0xFFFFFFFF;
	p2 =	slt.u32 s8, $0xFFFFF086  }
0x1c: {  	p1 =	slt.u32 s9, $0xF7A;
	s5 =	simm.s32 @!p2 $0x0  }
0x1d: {  	s5 =	simm.s32 @p1 $0x1;
	p0 =	seq.s32 s7, s2  }
0x1e: {  	s7 =	smul.u32 @!p0 $0xF7A, s2;
	p2 =	seq.s32 @!p0 s5, $0x0  }
0x1f: {  	s9 =	smul.u32 $0xF7A, s1;
	s8 =	simm.s32 @!p0 $0x1BF5;
	p2 =	por !p2, p0  }
0x20: {  	[sflag:s8] =	ssyncset.s32 @!p0 $0xFFFFF086;
	s6 =	sadd.s32 @!p0 s3, s7;
	s7 =	simm.s32 @!p0 $0x108  }
0x21: {  	s3 =	sadd.s32 s3, s9;
	s6 =	sadd.s32 @!p0 $0x88, s6;
	s7 =	simm.s32 @p2 $0x1082  }
0x22: {  	[simem:s7], [sflag:s8] =	dma.local @!p0 [hbm:s6], $0xF7A  }
0x23: {  	s9 =	sor.u32 $0xD0000000, s2;
	s6 =	simm.s32 $0x108;
	_ =	swait.ge @!p0 [sflag:s8], $0x0  }
0x24: {  	s3 =	sadd.s32 $0x88, s3;
	s6 =	simm.s32 @!p1 $0x1082;
	[sflag:s4] =	ssyncset.s32 $0xFFFFF086  }
0x25: {  	[simem:s6], [sflag:s4] =	dma.local [hbm:s3], $0xF7A  }
0x26: {  	[smem:$0x3FA0] =	sst s1;
	(tag) =	ssettag s2;
	_ =	strace s9  }
0x27: {  	s1 =	sld [smem:$0x3FB0]  }
0x28: {  	s2 =	sld [smem:$0x3FB1]  }
0x29: {  	s4 =	sld [smem:$0x3FB3]  }
0x2a: {  	p0 =	seq.s32 s5, $0x0;
	s5 =	sld [smem:$0x3FB4]  }
0x2b: {  	s6 =	sld [smem:$0x3FB5]  }
0x2c: {  	s7 =	sld [smem:$0x3FB6]  }
0x2d: {  	s3 =	simm.s32 $0x108;
	s8 =	sld [smem:$0x3FB7]  }
0x2e: {  	s3 =	simm.s32 @!p0 $0x1082;
	s9 =	sld [smem:$0x3FB8]  }
0x2f: {  	lr =	sadd.s32 s0, s3;
	s0 =	sld [smem:$0x3FAF]  }
0x30: {  	s3 =	sld [smem:$0x3FB2]  }
0x31: {  	[smem:$0x3FBB] =	sst s10  }
0x32: {  	s10 =	sld [smem:$0x3FB9];
	_ =	sdelay $0x3  }
0x33: {  	p0 =	seq.s32 s10, $0x1;
	s10 =	sld [smem:$0x3FBB];
	_ =	sdelay $0x3  }
0x34: {  	[smem:$0x3FBB] =	sst s10  }
0x35: {  	s10 =	sld [smem:$0x3FBA];
	_ =	sdelay $0x3  }
0x36: {  	p1 =	seq.s32 s10, $0x1;
	s10 =	sld [smem:$0x3FBB];
	_ =	sdelay $0x3  }
0x37: {  	[smem:$0x3FBB] =	sst s10  }
0x38: {  	s10 =	sld [smem:$0x3FBC]  }
0x39: {  	_ = 	snop;
	(pc) =	sbr.ind lr, $3  }
0x3a: {  	_ = 	snop  }
0x3b: {  	_ = 	snop  }
0x3c: {  	p2 =	seq.s32 s10, $0x1;
	s10 =	sld [smem:$0x3FBB]  }
0x3d: {  	_ =	shalt  }
0x3e: {  	_ =	shalt  }
0x3f: {  	_ =	shalt  }
0x40: {  	_ =	shalt  }
0x41: {  	_ =	shalt  }
0x42: {  	_ =	shalt  }
0x43: {  	_ =	shalt  }
0x44: {  	_ =	shalt  }
0x45: {  	_ =	shalt  }
0x46: {  	_ =	shalt  }
0x47: {  	_ =	shalt  }
0x48: {  	_ =	shalt  }
0x49: {  	_ =	shalt  }
0x4a: {  	_ =	shalt  }
0x4b: {  	_ =	shalt  }
0x4c: {  	_ =	shalt  }
0x4d: {  	_ =	shalt  }
0x4e: {  	_ =	shalt  }
0x4f: {  	_ =	shalt  }
0x50: {  	_ =	shalt  }
0x51: {  	_ =	shalt  }
0x52: {  	_ =	shalt  }
0x53: {  	_ =	shalt  }
0x54: {  	_ =	shalt  }
0x55: {  	_ =	shalt  }
0x56: {  	_ =	shalt  }
0x57: {  	_ =	shalt  }
0x58: {  	_ =	shalt  }
0x59: {  	_ =	shalt  }
0x5a: {  	_ =	shalt  }
0x5b: {  	_ =	shalt  }
0x5c: {  	_ =	shalt  }
0x5d: {  	_ =	shalt  }
0x5e: {  	_ =	shalt  }
0x5f: {  	_ =	shalt  }
0x60: {  	_ =	shalt  }
0x61: {  	_ =	shalt  }
0x62: {  	_ =	shalt  }
0x63: {  	_ =	shalt  }
0x64: {  	_ =	shalt  }
0x65: {  	_ =	shalt  }
0x66: {  	_ =	shalt  }
0x67: {  	_ =	shalt  }
0x68: {  	_ =	shalt  }
0x69: {  	_ =	shalt  }
0x6a: {  	_ =	shalt  }
0x6b: {  	_ =	shalt  }
0x6c: {  	_ =	shalt  }
0x6d: {  	_ =	shalt  }
0x6e: {  	_ =	shalt  }
0x6f: {  	_ =	shalt  }
0x70: {  	_ =	shalt  }
0x71: {  	_ =	shalt  }
0x72: {  	_ =	shalt  }
0x73: {  	_ =	shalt  }
0x74: {  	_ =	shalt  }
0x75: {  	_ =	shalt  }
0x76: {  	_ =	shalt  }
0x77: {  	_ =	shalt  }
0x78: {  	_ =	shalt  }
0x79: {  	_ =	shalt  }
0x7a: {  	_ =	shalt  }
0x7b: {  	_ =	shalt  }
0x7c: {  	_ =	shalt  }
0x7d: {  	_ =	shalt  }
0x7e: {  	_ =	shalt  }
0x7f: {  	_ =	shalt  }
0x80: {  	_ =	shalt  }
0x81: {  	_ =	shalt  }
0x82: {  	_ =	shalt  }
0x83: {  	_ =	shalt  }
0x84: {  	_ =	shalt  }
0x85: {  	_ =	shalt  }
0x86: {  	_ =	shalt  }
0x87: {  	_ =	shalt  }
.Lfunc_end0:
.L_simem_size_0:
called_computation_lowered:
.L_overlay_start_0:
0x88: {  	s2 =	sld [smem:$0x3FD9]  }
0x89: {  	s3 =	sld [smem:$0x3FFE];
	_ =	sdelay $0x1  }
0x8a: {  	s1 =	srdreg.scid  }
0x8b: {  	s0 =	sand.u32 $0x1, s1  }
0x8c: {  	s18 =	sshll.u32 s0, $0xA;
	s2 =	sadd.s32 s3, s2  }
0x8d: {  	s2 =	sadd.s32 s2, s18  }
0x8e: {  	[smem:$0x3FC7] =	sst s2  }
0x8f: {  	_ = 	snop  }
0x90: {  	s2 =	sld [smem:$0x3FC9]  }
0x91: {  	s19 =	sld [smem:$0x3FD0];
	(tm) =	ssettm $0x1  }
0x92: {  	s4 =	sld [smem:$0x3FFB];
	_ =	sdelay $0x3  }
0x93: {  	_ =	strace s4  }
0x94: {  	s4 =	sld [smem:$0x3FFC];
	_ =	sdelay $0x3  }
0x95: {  	_ =	strace s4  }
0x96: {  	s4 =	sld [smem:$0x3FFD];
	_ =	sdelay $0x3  }
0x97: {  	_ =	strace s4  }
0x98: {  	_ =	strace $0x8FFFFFFF  }
0x99: {  	s20 =	sld [smem:$0x3FDB];
	_ =	sdelay $0x1  }
0x9a: {  	s5 =	simm.s32 $_scs_section_size  }
0x9b: {  	s6 =	simm.s32 $_size__tile_overlayer_lowered;
	s7 =	simm.s32 $_tile_overlayer_lowered  }
0x9c: {  	s23 =	simm.s32 $0x1BFF;
	s22 =	sshll.u32 s7, $0x1;
	s4 =	sadd.s32 s5, s20  }
0x9d: {  	s8 =	simm.s32 $0x0;
	s21 =	sshll.u32 s6, $0x1;
	s6 =	sadd.s32 s22, s4  }
0x9e: {  	[timem:s8], [sflag:s23] =	dma.local [hbm:s6], s21  }
0x9f: {  	_ =	swait.ge [sflag:s23], s21  }
0xa0: {  	s5 =	ssub.s32 $0x0, s21;
	[sflag:s23] =	ssyncset.done $0x0  }
0xa1: {  	[sflag:s23] =	ssyncadd.s32 s5;
	_ =	sdelay $0x1  }
0xa2: {  	s24 =	simm.s32 $0x1B8B  }
0xa3: {  	_ =	swait.ge [sflag:s24], $0x1  }
0xa4: {  	[sflag:s24] =	ssyncset.done $0x0  }
0xa5: {  	s25 =	simm.s32 $0x1B8E;
	[sflag:s24] =	ssyncadd.s32 $0xFFFFFFFF  }
0xa6: {  	s26 =	simm.s32 $execute0_lowered;
	[smem:$0x3FD2] =	sst s25  }
0xa7: {  	s5 =	sshll.u32 s26, $0x1;
	_ =	strace $0x80000046;
	[dreg:$0x1] =	wrdreg $0xFFFFFFFF  }
0xa8: {  	s28 =	simm.s32 $_size_execute0_lowered;
	s4 =	sadd.s32 s4, s5;
	[dreg:$0x0] =	wrdreg $0x0  }
0xa9: {  	s5 =	sshll.u32 s28, $0x1;
	[dreg:$0x2] =	wrdreg s4  }
0xaa: {  	[dreg:$0x3] =	wrdreg s5  }
0xab: {  	[dreg:$0x4] =	wrdreg $0xC0  }
0xac: {  	_ =	task [dreg:s8], $0x5FFFF  }
0xad: {  	[dreg:$0x1] =	wrdreg $0xFFFFFFFF  }
0xae: {  	[dreg:$0x0] =	wrdreg $0x60  }
0xaf: {  	[dreg:$0x2] =	wrdreg s2  }
0xb0: {  	[dreg:$0x3] =	wrdreg s19  }
0xb1: {  	[dreg:$0x4] =	wrdreg $0x9  }
0xb2: {  	_ =	task.clear_ibuf [dreg:s8], $0x5FFFF;
	_ =	strace $0x90000046  }
0xb3: {  	s29 =	simm.s32 $0x9;
	_ =	strace $0x80000048  }
0xb4: {  	_ =	swait.ge [sflag:s29], $0x1  }
0xb5: {  	[sflag:s29] =	ssyncadd.s32 $0xFFFFFFFF  }
0xb6: {  	_ =	strace $0x90000048  }
0xb7: {  	_ =	sfence  }
0xb8: {  	s30 =	sld [smem:$0x0];
	_ =	sdelay $0x2  }
0xb9: {  	s31 =	sshll.u32 s1, $0xD;
	s1 =	sshrl.u32 s1, $0x2  }
0xba: {  	s3 =	sand.u32 $0x4000, s31;
	s1 =	sadd.s32 s1, s30  }
0xbb: {  	s0 =	sor.u32 s3, s0;
	s1 =	sshll.u32 s1, $0x11  }
0xbc: {  	s0 =	sor.u32 s1, s0  }
0xbd: {  	s0 =	sadd.s32 $0x8F2B, s0  }
0xbe: {  	[sflag:s0] =	ssyncadd.remote.s32 $0x1  }
0xbf: {  	_ =	sfence.sel $0xFFFF  }
0xc0: {  	[dreg:$0x0] =	wrdreg $0xFFFFFFFF;
	(pc) =	sbr.abs _section_cstart, $3  }
0xc1: {  	[dreg:$0x1] =	wrdreg $0xFFFFFFFF  }
0xc2: {  	_ =	task.clear_ibuf [dreg:s8], $0x2FFFF;
	_ =	strace $0x9FFFFFFF  }
0xc3: {  	(tm) =	ssettm $0x7FFFFFFF  }
tec
execute0_lowered:
.L_overlay_start_1:
0x0: {  	(tag) =	ssettag $0x1  }
0x1: {  	s4 =	rddreg [dreg:$0x0]  }
0x2: {  	s7 =	rddreg [dreg:$0x1]  }
0x3: {  	s0 =	rddreg [dreg:$0x2];
	s3 =	srdreg.scid  }
0x4: {  	s2 =	simm.s32 $0x0;
	s1 =	stileid.u32;
	s11 =	simm.s32 $0x4  }
0x5: {  	s12 =	simm.s32 $0x0;
	s3 =	sand.u32 $0x1, s3;
	[smem:$0x7FF] =	sst s2  }
0x6: {  	s8 =	sshll.u32 s1, $0x11;
	s9 =	sshll.u32 s3, $0x10;
	_ =	strace $0x80000047  }
0x7: {  	s5 =	ssub.s32 $0x2, s3;
	s10 =	sadd.s32 s8, s4;
	s7 =	sadd.s32 s8, s7  }
0x8: {  	s30 =	sor.u32 s9, s8;
	s6 =	sshrl.u32 s5, $0x1;
	s31 =	sadd.s32 s9, s10  }
0x9: {  	s7 =	sadd.s32 s9, s7;
	s8 =	simm.s32 $0x8000;
	s9 =	simm.s32 $0x5  }
0xa: {  	s10 =	simm.s32 $0x6;
	s3 =	sadd.s32 s4, s30;
	s5 =	ssub.s32 s5, s6  }
0xb: {  	s6 =	sadd.s32 $0x2000, s31;
	s4 =	sadd.s32 $0x1000, s3;
	s5 =	smax.u32 s5, $0x1  }
.LBB2_1:
0xc: {  	[tilespmem:s2], [sflag:$0x1] =	stream.linear.gather [hbm4b:s3+s2], $0x8000, $0x38;
	[tilespmem:$0x18000] =	vst v63  }
0xd: {  	s13 =	simm.s32 $0x0  }
0xe: {  	s13 =	smul.u32 $0xAB, s13  }
0xf: {  	[tilespmem:s8], [sflag:$0x2] =	stream.linear.gather [hbm4b:s4+s2], $0x8000, $0x38;
	[tilespmem:$0x18000] =	vst v63  }
0x10: {  	s14 =	simm.s32 $0x2;
	p1 =	por $0x0, $0x0;
	s13 =	sshrl.u32 s13, $0x9  }
0x11: {  	s15 =	simm.s32 $0x3;
	s14 =	smul.u32 @!p1 $0xAB, s14;
	s13 =	sand.u32 $0x7F, s13  }
0x12: {  	s16 =	simm.s32 $0x4;
	p0 =	por p1, p1;
	s13 =	smul.u32 $0x3, s13  }
0x13: {  	s21 =	simm.s32 $0x1;
	p5 =	por $0x0, $0x0;
	s14 =	sshrl.u32 @!p0 s14, $0x9  }
0x14: {  	p1 =	por @!p1 $0x1, $0x1;
	s14 =	sand.u32 @!p0 $0x7F, s14;
	s13 =	ssub.s32 $0x0, s13  }
0x15: {  	p2 =	por @!p5 $0x0, $0x0;
	s17 =	smul.u32 @!p0 $0x3, s14;
	s18 =	sand.u32 $0xFF, s13  }
0x16: {  	p1 =	por p1, p0;
	s14 =	sadd.s32 $0x1000, s7;
	s19 =	sadd.s32 $0x1, s18  }
0x17: {  	s17 =	ssub.s32 @!p0 $0x2, s17;
	s13 =	sadd.s32 $0x1000, s6;
	_ =	swait.ge [sflag:s19], $0x8000  }
0x18: {  	s20 =	sand.u32 @!p0 $0xFF, s17;
	s22 =	sshll.u32 s18, $0xF;
	[sflag:s19] =	ssyncset.done $0x0  }
0x19: {  	s17 =	sadd.s32 @!p1 $0x4, s20;
	s23 =	sor.u32 $0x4, s18;
	[sflag:s19] =	ssyncadd.s32 $0xFFFF8000  }
0x1a: {  	[hbm4b:s7+s2] =	stream.linear.scatter [tilespmem:s22], [sflag:s23], $0x8000, $0x38;
	[tilespmem:$0x18000] =	vst v63  }
0x1b: {  	s18 =	sshll.u32 @!p0 s20, $0xF;
	s23 =	smul.u32 $0xAB, s21;
	_ =	swait.ge @!p1 [sflag:s17], $0x8000  }
0x1c: {  	s19 =	smov.u32 s6;
	s22 =	smul.u32 @!p5 $0xAB, s15;
	[sflag:s17] =	ssyncset.done @!p1 $0x0  }
.LBB2_2:
0x1d: {  	s23 =	sshrl.u32 s23, $0x9;
	s24 =	sadd.s32 @!p0 $0x1, s20  }
0x1e: {  	s20 =	smov.u32 s15;
	s15 =	smov.u32 s16;
	s16 =	sadd.s32 $0x1, s16  }
0x1f: {  	s25 =	smov.u32 s14;
	p4 =	por p0, p0;
	p0 =	por p5, p5  }
0x20: {  	p3 =	sne.s32 s16, $0x12;
	s23 =	sand.u32 $0x7F, s23;
	s22 =	sshrl.u32 @!p0 s22, $0x9  }
0x21: {  	s26 =	smov.u32 s19;
	s23 =	smul.u32 $0x3, s23;
	s22 =	sand.u32 @!p0 $0x7F, s22  }
0x22: {  	s14 =	sadd.s32 $0x1000, s14;
	s19 =	smov.u32 s13;
	s22 =	smul.u32 @!p0 $0x3, s22  }
0x23: {  	s13 =	sadd.s32 $0x1000, s13;
	s21 =	ssub.s32 s21, s23;
	s23 =	simm.s32 @!p4 $0x0  }
0x24: {  	s21 =	sand.u32 $0xFF, s21;
	s20 =	ssub.s32 @!p0 s20, s22;
	[sflag:s17] =	ssyncadd.s32 @!p1 $0xFFFF8000  }
0x25: {  	p1 =	por p2, p0;
	s22 =	sadd.s32 $0x1, s21;
	s20 =	sand.u32 @!p0 $0xFF, s20  }
0x26: {  	[tilespmem:s18], [sflag:s24] =	stream.linear.gather @!p4 [hbm4b:s26+s23], $0x8000, $0x38;
	[tilespmem:$0x18000] =	vst v63  }
0x27: {  	s23 =	sshll.u32 s21, $0xF;
	s17 =	sadd.s32 @!p1 $0x4, s20;
	_ =	swait.ge [sflag:s22], $0x8000  }
.Ltmp0:
0x28: {  	s24 =	sor.u32 $0x4, s21;
	[sflag:s22] =	ssyncset.done $0x0;
	(pc) =	sbr.rel @p3 .LBB2_2-.Ltmp0, $4  }
0x29: {  	s21 =	sadd.s32 $0xFFFFFFFE, s15;
	s18 =	sshll.u32 @!p0 s20, $0xF;
	[sflag:s22] =	ssyncadd.s32 $0xFFFF8000  }
0x2a: {  	[hbm4b:s25+s2] =	stream.linear.scatter [tilespmem:s23], [sflag:s24], $0x8000, $0x38;
	[tilespmem:$0x18000] =	vst v63  }
0x2b: {  	p5 =	sgt.u32 s21, $0xD;
	s23 =	smul.u32 $0xAB, s21;
	_ =	swait.ge @!p1 [sflag:s17], $0x8000  }
0x2c: {  	p2 =	seq.s32 @!p5 s15, $0x2;
	s22 =	smul.u32 @!p5 $0xAB, s15;
	[sflag:s17] =	ssyncset.done @!p1 $0x0  }
0x2d: {  	s16 =	sshrl.u32 s23, $0x9  }
0x2e: {  	s16 =	sand.u32 $0x7F, s16  }
0x2f: {  	p3 =	por p5, p5;
	s16 =	smul.u32 $0x3, s16  }
0x30: {  	p4 =	por p0, p0;
	s20 =	sadd.s32 @!p0 $0x1, s20;
	s22 =	sshrl.u32 @!p3 s22, $0x9  }
0x31: {  	[sflag:s17] =	ssyncadd.s32 @!p1 $0xFFFF8000;
	s22 =	sand.u32 @!p3 $0x7F, s22;
	s16 =	ssub.s32 s21, s16  }
0x32: {  	s22 =	smul.u32 @!p3 $0x3, s22;
	s21 =	simm.s32 @!p4 $0x0;
	s16 =	sand.u32 $0xFF, s16  }
0x33: {  	[tilespmem:s18], [sflag:s20] =	stream.linear.gather @!p4 [hbm4b:s19+s21], $0x8000, $0x38;
	[tilespmem:$0x18000] =	vst v63  }
0x34: {  	s30 =	sadd.s32 $0x1, s16  }
0x35: {  	p0 =	por p2, p3;
	s15 =	ssub.s32 @!p3 s15, s22;
	_ =	swait.ge [sflag:s30], $0x8000  }
0x36: {  	s15 =	sand.u32 @!p3 $0xFF, s15;
	s31 =	sshll.u32 s16, $0xF;
	[sflag:s30] =	ssyncset.done $0x0  }
0x37: {  	s16 =	sor.u32 $0x4, s16;
	s19 =	sadd.s32 @!p0 $0x4, s15;
	[sflag:s30] =	ssyncadd.s32 $0xFFFF8000  }
0x38: {  	[hbm4b:s14+s2] =	stream.linear.scatter [tilespmem:s31], [sflag:s16], $0x8000, $0x38;
	[tilespmem:$0x18000] =	vst v63  }
0x39: {  	_ =	swait.ge @!p0 [sflag:s19], $0x8000  }
0x3a: {  	p1 =	por p3, p3;
	s14 =	sshll.u32 @!p3 s15, $0xF;
	[sflag:s19] =	ssyncset.done @!p0 $0x0  }
0x3b: {  	s15 =	sadd.s32 @!p3 $0x1, s15;
	s16 =	simm.s32 @!p1 $0x0;
	[sflag:s19] =	ssyncadd.s32 @!p0 $0xFFFF8000  }
0x3c: {  	[tilespmem:s14], [sflag:s15] =	stream.linear.gather @!p1 [hbm4b:s13+s16], $0x8000, $0x38;
	[tilespmem:$0x18000] =	vst v63  }
0x3d: {  	_ =	swait.ge [sflag:s9], $0x8000  }
0x3e: {  	[sflag:s9] =	ssyncset.done $0x0  }
0x3f: {  	s12 =	sadd.s32 $0x1, s12;
	[sflag:s9] =	ssyncadd.s32 $0xFFFF8000  }
0x40: {  	p0 =	sne.s32 s12, s5;
	_ =	swait.ge [sflag:s10], $0x8000  }
.Ltmp1:
0x41: {  	[sflag:s10] =	ssyncset.done $0x0;
	(pc) =	sbr.rel @p0 .LBB2_1-.Ltmp1, $4  }
0x42: {  	[sflag:s10] =	ssyncadd.s32 $0xFFFF8000  }
0x43: {  	_ =	swait.ge [sflag:s11], $0x8000  }
0x44: {  	[sflag:s11] =	ssyncset.done $0x0  }
0x45: {  	[sflag:s11] =	ssyncadd.s32 $0xFFFF8000  }
0x46: {  	_ =	sfence.sel $0x180000  }
0x47: {  	[bflag:$0x0] =	sbarrier.arrive $0xFFFF  }
0x48: {  	p0 =	sne.s32 s1, $0x0;
	_ =	strace $0x90000047  }
0x49: {  	s0 =	sadd.s32 @!p0 $0x100000, s0;
	[bflag:$0x2] =	sbarrier.arrive $0xFFFF  }
0x4a: {  	[sflag:s0] =	ssyncadd.tile.s32 @!p0 $0x1;
	_ =	shalt  }
.Lfunc_end2:
_tile_overlayer_lowered:
.L_overlay_start_2:
0x4b: {  	(tag) =	ssettag $0x2  }
0x4c: {  	s0 =	rddreg [dreg:$0x0];
	s2 =	stileid.u32  }
0x4d: {  	s1 =	rddreg [dreg:$0x1];
	p0 =	sne.s32 s2, $0x0  }
0x4e: {  	s3 =	rddreg [dreg:$0x2];
	[bflag:$0x3] =	sbarrier.arrive $0xFFFF;
	s2 =	simm.s32 @!p0 $0x1C07  }
0x4f: {  	[timem:s3], [sflag:s2] =	dma.local @!p0 [hbm:s0], s1  }
0x50: {  	s0 =	simm.s32 @!p0 $0x7  }
0x51: {  	_ =	swait.ge @!p0 [sflag:s0], s1  }
0x52: {  	s1 =	ssub.s32 @!p0 $0x0, s1;
	[sflag:s0] =	ssyncset.done @!p0 $0x0  }
0x53: {  	[sflag:s0] =	ssyncadd.s32 @!p0 s1  }
0x54: {  	[bflag:$0x3] =	sbarrier.arrive $0xFFFF  }
0x55: {  	_ =	shalt  }

</sc_bundles>
